<compile_context>
chip_gen: v7x
topology: tpu7x:2x2x1
jax: 0.10.2.dev20260603
libtpu: 0.0.44.dev20260713+nightly
codegen_flags: <defaults>
</compile_context>

<pallas_src>
import functools
import math

import jax
import jax.numpy as jnp
from jax import lax
from jax.experimental import pallas as pl
from jax.experimental.pallas import tpu as pltpu
from jax.experimental.pallas import tpu_sc as plsc

_NUM_PROJS = 8


def _ids_body(xt_ref, pdt_ref, enc_ref, out_ref):
    xt = xt_ref[0]
    yt = jnp.dot(pdt_ref[...], xt, preferred_element_type=jnp.float32)
    bits = jnp.where(yt > 0.0, 1.0, 0.0)
    ids = jnp.dot(enc_ref[...], bits, preferred_element_type=jnp.float32)
    ids = ids.astype(jnp.int32).reshape(ids.shape[1])
    out_ref[...] = ids.reshape(out_ref.shape)


def _make_sc_gather(m):
    nw = 32
    chunk = m // nw
    mesh = plsc.VectorSubcoreMesh(core_axis_name="c", subcore_axis_name="s")

    @functools.partial(
        pl.kernel, mesh=mesh,
        out_type=jax.ShapeDtypeStruct((m,), jnp.int32),
        scratch_types=[
            pltpu.VMEM((chunk,), jnp.int32),
            pltpu.VMEM((chunk,), jnp.int32),
            pltpu.SemaphoreType.DMA,
        ],
    )
    def sc_gather(ids_hbm, perm_hbm, out_hbm, idx_v, res_v, sem):
        wid = lax.axis_index("s") * 2 + lax.axis_index("c")
        base = wid * chunk
        pltpu.sync_copy(ids_hbm.at[pl.ds(base, chunk)], idx_v)
        pltpu.async_copy(perm_hbm.at[idx_v], res_v, sem).wait()
        pltpu.sync_copy(res_v, out_hbm.at[pl.ds(base, chunk)])

    return sc_gather


def kernel(mat, proj_dir, perm):
    b, h, n, d = mat.shape
    m = b * h * n
    bh = b * h
    xt = mat.transpose(0, 1, 3, 2).reshape(bh, d, n)
    pdt = proj_dir.reshape(d, _NUM_PROJS).astype(jnp.float32).T
    enc = (2.0 ** jnp.arange(_NUM_PROJS, dtype=jnp.float32)).reshape(1, -1)

    tile = math.gcd(n, 4096)
    grid_n = n // tile

    ids = pl.pallas_call(
        _ids_body,
        grid=(bh, grid_n),
        in_specs=[
            pl.BlockSpec((1, d, tile), lambda i, j: (i, 0, j)),
            pl.BlockSpec((_NUM_PROJS, d), lambda i, j: (0, 0)),
            pl.BlockSpec((1, _NUM_PROJS), lambda i, j: (0, 0)),
        ],
        out_specs=pl.BlockSpec((tile // 128, 128),
                               lambda i, j: (i * grid_n + j, 0)),
        out_shape=jax.ShapeDtypeStruct((m // 128, 128), jnp.int32),
        compiler_params=pltpu.CompilerParams(
            dimension_semantics=("arbitrary", "arbitrary"),
        ),
    )(xt, pdt, enc)

    out = _make_sc_gather(m)(ids.reshape(m), perm.astype(jnp.int32))
    return out.reshape(b, h, n)

# --- scband reference (transcript-rebuilt; emitter-appended) ---
"""Pipeline reference for scband-angular-lsh-90675349553508 (READ-ONLY COPY).

The authoritative reference and input builder live on the scoring server;
editing this copy changes nothing except your own understanding.
"""

import jax, jax.numpy as jnp
import numpy as np

NUM_PROJS = 8
B, H, N, D = 2, 32, 4096, 64


def unit_hamming_distance_array(size_n):
    if size_n == 1:
        return np.array([0, 1], dtype=np.int64)
    a = unit_hamming_distance_array(size_n - 1)
    return np.concatenate([a, a[::-1] + 2 ** (size_n - 1)], 0)


def setup_inputs(seed: int = 0) -> dict:
    key = jax.random.key(seed)
    k1, k2 = jax.random.split(key)
    mat = jax.random.normal(k1, (B, H, N, D), dtype=jnp.float32)
    # learned/param buffers per __init__: proj_dir has shape dim + (num_projs,) = (1, 1, D, NUM_PROJS)
    proj_dir = jax.random.normal(k2, (1, 1, D, NUM_PROJS), dtype=jnp.float32)
    perm = jnp.asarray(unit_hamming_distance_array(NUM_PROJS))
    return {"mat": mat, "proj_dir": proj_dir, "perm": perm}


def reference(mat, proj_dir, perm):
    # proj_mat = (mat @ proj_dir > 0).astype -> sign bits
    proj_mat = (jnp.einsum('...nd,...dr->...nr', mat, proj_dir) > 0.0).astype(mat.dtype)
    enc_vec = (2.0 ** jnp.arange(NUM_PROJS, dtype=mat.dtype)).reshape(1, 1, -1)
    bin_ids = jnp.einsum('...nr,...r->...n', proj_mat, enc_vec).astype(jnp.int32)
    # gray-code style permutation lookup (gather)
    return jnp.take(perm, bin_ids, axis=0)

if __name__ == "__main__":
    import jax
    _d = setup_inputs()
    print(jax.jit(kernel)(*tuple(_d.values())))

</pallas_src>

<mosaic_0001>
#map = affine_map<(d0, d1) -> (0)>
module attributes {stable_mosaic.version = 14 : i64} {
  func.func @sc_gather(%arg0: i32, %arg1: i32, %arg2: memref<262144xi32, #tpu.memory_space<hbm>>, %arg3: memref<256xi32, #tpu.memory_space<hbm>>, %arg4: memref<262144xi32, #tpu.memory_space<hbm>>, %arg5: memref<8192xi32, #tpu.memory_space<vmem>>, %arg6: memref<8192xi32, #tpu.memory_space<vmem>>, %arg7: memref<!tpu.dma_semaphore, #tpu.memory_space<semaphore_mem>>) attributes {dimension_semantics = [#tpu.dimension_semantics<core_parallel>, #tpu.dimension_semantics<subcore_parallel>], iteration_bounds = array<i64: 2, 16>, scalar_prefetch = 0 : i64, scratch_operands = 3 : i64, tpu.core_type = #tpu.core_type<sc_vector_subcore>, window_params = [{transform_indices = #map}, {transform_indices = #map}, {transform_indices = #map}]} {
    %mul3A = arith.constant 2 : i32
    %mul3A_0 = arith.muli %arg1, %mul3A : i32
    %add3A = arith.addi %mul3A_0, %arg0 : i32
    %mul3A_1 = arith.constant 8192 : i32
    %mul3A_2 = arith.muli %add3A, %mul3A_1 : i32
    "tpu.region"() ({
      %run_scoped3A = tpu.sem_alloc : memref<!tpu.dma_semaphore, #tpu.memory_space<semaphore_mem>>
      %dma_start3A_5 = tpu.memref_slice %arg2[%mul3A_2] : memref<262144xi32, #tpu.memory_space<hbm>> -> memref<8192xi32, #tpu.memory_space<hbm>>
      %dma_start3A_6 = tpu.memref_slice %arg2[%mul3A_2] : memref<262144xi32, #tpu.memory_space<hbm>> -> memref<8192xi32, #tpu.memory_space<hbm>>
      tpu.enqueue_dma source(%dma_start3A_6 : memref<8192xi32, #tpu.memory_space<hbm>>) target(%arg5 : memref<8192xi32, #tpu.memory_space<vmem>>) target_semaphore(%run_scoped3A : memref<!tpu.dma_semaphore, #tpu.memory_space<semaphore_mem>>)
      %dma_wait3A_7 = tpu.memref_slice %arg2[%mul3A_2] : memref<262144xi32, #tpu.memory_space<hbm>> -> memref<8192xi32, #tpu.memory_space<hbm>>
      %dma_wait3A_8 = tpu.memref_slice %arg2[%mul3A_2] : memref<262144xi32, #tpu.memory_space<hbm>> -> memref<8192xi32, #tpu.memory_space<hbm>>
      tpu.wait_dma2 semaphore(%run_scoped3A : memref<!tpu.dma_semaphore, #tpu.memory_space<semaphore_mem>>) src(%dma_wait3A_8 : memref<8192xi32, #tpu.memory_space<hbm>>) dst(%arg5 : memref<8192xi32, #tpu.memory_space<vmem>>)
      tpu.yield
    }) : () -> ()
    %dma_start3A = arith.constant 0 : i32
    %dma_start3A_3 = tpu.memref_slice %arg3[%dma_start3A] : memref<256xi32, #tpu.memory_space<hbm>> -> memref<256xi32, #tpu.memory_space<hbm>>
    tpu.enqueue_indirect_dma source(%dma_start3A_3 : memref<256xi32, #tpu.memory_space<hbm>>) target(%arg6 : memref<8192xi32, #tpu.memory_space<vmem>>) offsets(%arg5 : memref<8192xi32, #tpu.memory_space<vmem>>) semaphore(%arg7 : memref<!tpu.dma_semaphore, #tpu.memory_space<semaphore_mem>>)
    %dma_wait3A = arith.constant 0 : i32
    %dma_wait3A_4 = tpu.memref_slice %arg3[%dma_wait3A] : memref<256xi32, #tpu.memory_space<hbm>> -> memref<256xi32, #tpu.memory_space<hbm>>
    tpu.wait_indirect_dma semaphore(%arg7 : memref<!tpu.dma_semaphore, #tpu.memory_space<semaphore_mem>>) src(%dma_wait3A_4 : memref<256xi32, #tpu.memory_space<hbm>>) dst(%arg6 : memref<8192xi32, #tpu.memory_space<vmem>>)
    "tpu.region"() ({
      %run_scoped3A = tpu.sem_alloc : memref<!tpu.dma_semaphore, #tpu.memory_space<semaphore_mem>>
      %dma_start3A_5 = tpu.memref_slice %arg4[%mul3A_2] : memref<262144xi32, #tpu.memory_space<hbm>> -> memref<8192xi32, #tpu.memory_space<hbm>>
      %dma_start3A_6 = tpu.memref_slice %arg4[%mul3A_2] : memref<262144xi32, #tpu.memory_space<hbm>> -> memref<8192xi32, #tpu.memory_space<hbm>>
      tpu.enqueue_dma source(%arg6 : memref<8192xi32, #tpu.memory_space<vmem>>) target(%dma_start3A_6 : memref<8192xi32, #tpu.memory_space<hbm>>) target_semaphore(%run_scoped3A : memref<!tpu.dma_semaphore, #tpu.memory_space<semaphore_mem>>)
      %dma_wait3A_7 = tpu.memref_slice %arg4[%mul3A_2] : memref<262144xi32, #tpu.memory_space<hbm>> -> memref<8192xi32, #tpu.memory_space<hbm>>
      %dma_wait3A_8 = tpu.memref_slice %arg4[%mul3A_2] : memref<262144xi32, #tpu.memory_space<hbm>> -> memref<8192xi32, #tpu.memory_space<hbm>>
      tpu.wait_dma2 semaphore(%run_scoped3A : memref<!tpu.dma_semaphore, #tpu.memory_space<semaphore_mem>>) src(%arg6 : memref<8192xi32, #tpu.memory_space<vmem>>) dst(%dma_wait3A_8 : memref<8192xi32, #tpu.memory_space<hbm>>)
      tpu.yield
    }) : () -> ()
    return
  }
}

module attributes {stable_mosaic.version = 14 : i64} {
  func.func @_ids_body(%arg0: i32, %arg1: i32, %arg2: memref<1x64x4096xf32, #tpu.memory_space<vmem>>, %arg3: memref<8x64xf32, #tpu.memory_space<vmem>>, %arg4: memref<1x8xf32, #tpu.memory_space<vmem>>, %arg5: memref<32x128xi32, #tpu.memory_space<vmem>>) attributes {dimension_semantics = [#tpu.dimension_semantics<arbitrary>, #tpu.dimension_semantics<arbitrary>], iteration_bounds = array<i64: 64, 1>, scalar_prefetch = 0 : i64, scratch_operands = 0 : i64, tpu.core_type = #tpu.core_type<tc>, window_params = [{transform_indices = @transform_0, window_bounds = array<i64: 1, 64, 4096>}, {pipeline_mode = #tpu.pipeline_mode<synchronous>, transform_indices = @transform_1, window_bounds = array<i64: 8, 64>}, {pipeline_mode = #tpu.pipeline_mode<synchronous>, transform_indices = @transform_2, window_bounds = array<i64: 1, 8>}, {transform_indices = @transform_3, window_bounds = array<i64: 32, 128>}]} {
    %get3A = arith.constant 0 : index
    %get3A_0 = arith.constant 0 : index
    %get3A_1 = arith.constant 0 : index
    %get3A_2 = vector.load %arg2[%get3A, %get3A_0, %get3A_1] : memref<1x64x4096xf32, #tpu.memory_space<vmem>>, vector<1x64x4096xf32>
    %get3A_3 = vector.shape_cast %get3A_2 : vector<1x64x4096xf32> to vector<64x4096xf32>
    %get3A_4 = arith.constant 0 : index
    %get3A_5 = arith.constant 0 : index
    %get3A_6 = vector.load %arg3[%get3A_4, %get3A_5] : memref<8x64xf32, #tpu.memory_space<vmem>>, vector<8x64xf32>
    %dot_general3A = arith.constant dense<0.000000e+00> : vector<8x4096xf32>
    %dot_general3A_7 = tpu.matmul %get3A_6, %get3A_3, %dot_general3A {dimension_numbers = #tpu.dot_dimension_numbers<[1], [0], [0], [1], [0, 0, 1, 1], [], []>, transpose_lhs_hint = false} : vector<8x64xf32>, vector<64x4096xf32>, vector<8x4096xf32> -> vector<8x4096xf32>
    %gt3A = arith.constant 0.000000e+00 : f32
    %gt3A_8 = vector.broadcast %gt3A : f32 to vector<8x4096xf32>
    %gt3A_9 = arith.cmpf ogt, %dot_general3A_7, %gt3A_8 : vector<8x4096xf32>
    %jit3A = arith.constant 1.000000e+00 : f32
    %jit3A_10 = arith.constant 0.000000e+00 : f32
    %broadcast_in_dim3A = vector.broadcast %jit3A : f32 to vector<8x4096xf32>
    %broadcast_in_dim3A_11 = vector.broadcast %jit3A_10 : f32 to vector<8x4096xf32>
    %select_n3A = arith.select %gt3A_9, %broadcast_in_dim3A, %broadcast_in_dim3A_11 : vector<8x4096xi1>, vector<8x4096xf32>
    %get3A_12 = arith.constant 0 : index
    %get3A_13 = arith.constant 0 : index
    %get3A_14 = vector.load %arg4[%get3A_12, %get3A_13] : memref<1x8xf32, #tpu.memory_space<vmem>>, vector<1x8xf32>
    %dot_general3A_15 = arith.constant dense<0.000000e+00> : vector<1x4096xf32>
    %dot_general3A_16 = tpu.matmul %get3A_14, %select_n3A, %dot_general3A_15 {dimension_numbers = #tpu.dot_dimension_numbers<[1], [0], [0], [1], [0, 0, 1, 1], [], []>, transpose_lhs_hint = false} : vector<1x8xf32>, vector<8x4096xf32>, vector<1x4096xf32> -> vector<1x4096xf32>
    %convert_element_type3A = arith.fptosi %dot_general3A_16 : vector<1x4096xf32> to vector<1x4096xi32>
    %reshape3A = vector.shape_cast %convert_element_type3A : vector<1x4096xi32> to vector<4096xi32>
    %reshape3A_17 = vector.shape_cast %reshape3A : vector<4096xi32> to vector<32x128xi32>
    %swap3A = arith.constant 0 : index
    %swap3A_18 = arith.constant 0 : index
    %swap3A_19 = vector.load %arg5[%swap3A, %swap3A_18] : memref<32x128xi32, #tpu.memory_space<vmem>>, vector<32x128xi32>
    tpu.vector_store %arg5[%swap3A, %swap3A_18], %reshape3A_17 {strides = array<i32>} : memref<32x128xi32, #tpu.memory_space<vmem>>, vector<32x128xi32>,
    return
  }
  func.func @transform_0(%arg0: i32, %arg1: i32) -> (i32, i32, i32) {
    %c0_i32 = arith.constant 0 : i32
    %c0_i32_0 = arith.constant 0 : i32
    return %arg0, %c0_i32, %arg1 : i32, i32, i32
  }
  func.func @transform_1(%arg0: i32, %arg1: i32) -> (i32, i32) {
    %c0_i32 = arith.constant 0 : i32
    %c0_i32_0 = arith.constant 0 : i32
    %c0_i32_1 = arith.constant 0 : i32
    return %c0_i32, %c0_i32_0 : i32, i32
  }
  func.func @transform_2(%arg0: i32, %arg1: i32) -> (i32, i32) {
    %c0_i32 = arith.constant 0 : i32
    %c0_i32_0 = arith.constant 0 : i32
    %c0_i32_1 = arith.constant 0 : i32
    return %c0_i32, %c0_i32_0 : i32, i32
  }
  func.func @transform_3(%arg0: i32, %arg1: i32) -> (i32, i32) {
    %mul3A = arith.constant 1 : i32
    %mul3A_0 = arith.muli %arg0, %mul3A : i32
    %add3A = arith.addi %mul3A_0, %arg1 : i32
    %c0_i32 = arith.constant 0 : i32
    %c0_i32_1 = arith.constant 0 : i32
    return %add3A, %c0_i32 : i32, i32
  }
}

</mosaic_0001>

<sc_bundles>
// kernel: kernel.4.cloned.1.call-start
scs
__scs_entry_jumppad:
0x0: {  	(pc) =	sbr.rel $0x88, $3  }
0x1: {  	(tag) =	ssettag $0x0;
	lr =	simm.s32 $0x1  }
0x2: {  	[smem:$0x3F9E] =	sst lr;
	_ =	strace $0xD0000000  }
0x3: {  	_ = 	snop  }
0x4: {  	_ = 	snop  }
0x5: {  	_ = 	snop  }
0x6: {  	_ = 	snop  }
0x7: {  	_ = 	snop  }
__scs_overlays_trampoline_lowered:
0x8: {  	[smem:$0x3FAD] =	sst s0  }
0x9: {  	[smem:$0x3FAE] =	sst s1  }
0xa: {  	[smem:$0x3FAF] =	sst s2  }
0xb: {  	[smem:$0x3FB0] =	sst s3  }
0xc: {  	[smem:$0x3FB1] =	sst s4  }
0xd: {  	[smem:$0x3FB2] =	sst s5  }
0xe: {  	[smem:$0x3FB3] =	sst s6  }
0xf: {  	[smem:$0x3FB4] =	sst s7  }
0x10: {  	[smem:$0x3FB5] =	sst s8  }
0x11: {  	[smem:$0x3FB6] =	sst s9;
	s0 =	simm.s32 @!p0 $0x0  }
0x12: {  	s1 =	sld [smem:$0x3F9C];
	s0 =	simm.s32 @p0 $0x1  }
0x13: {  	[smem:$0x3FB7] =	sst s0;
	s0 =	simm.s32 @!p1 $0x0  }
0x14: {  	s2 =	sld [smem:$0x3F9B];
	s0 =	simm.s32 @p1 $0x1  }
0x15: {  	[smem:$0x3FB8] =	sst s0;
	s0 =	simm.s32 @!p2 $0x0  }
0x16: {  	s3 =	sld [smem:$0x3FDB];
	s0 =	simm.s32 @p2 $0x1  }
0x17: {  	s4 =	simm.s32 $0x1BF5;
	[smem:$0x3FBA] =	sst s0  }
0x18: {  	s0 =	sld [smem:$0x3F9D];
	_ =	swait.ge [sflag:s4], $0x0  }
0x19: {  	s7 =	sld [smem:$0x3F9E]  }
0x1a: {  	s8 =	sadd.s32 $0xFFFFE003, lr  }
0x1b: {  	s9 =	sadd.s32 $0xFFFFFEF7, lr;
	s5 =	simm.s32 $0xFFFFFFFF;
	p2 =	slt.u32 s8, $0xFFFFF086  }
0x1c: {  	p1 =	slt.u32 s9, $0xF7A;
	s5 =	simm.s32 @!p2 $0x0  }
0x1d: {  	s5 =	simm.s32 @p1 $0x1;
	p0 =	seq.s32 s7, s2  }
0x1e: {  	s7 =	smul.u32 @!p0 $0xF7A, s2;
	p2 =	seq.s32 @!p0 s5, $0x0  }
0x1f: {  	s9 =	smul.u32 $0xF7A, s1;
	s8 =	simm.s32 @!p0 $0x1BF5;
	p2 =	por !p2, p0  }
0x20: {  	[sflag:s8] =	ssyncset.s32 @!p0 $0xFFFFF086;
	s6 =	sadd.s32 @!p0 s3, s7;
	s7 =	simm.s32 @!p0 $0x108  }
0x21: {  	s3 =	sadd.s32 s3, s9;
	s6 =	sadd.s32 @!p0 $0x88, s6;
	s7 =	simm.s32 @p2 $0x1082  }
0x22: {  	[simem:s7], [sflag:s8] =	dma.local @!p0 [hbm:s6], $0xF7A  }
0x23: {  	s9 =	sor.u32 $0xD0000000, s2;
	s6 =	simm.s32 $0x108;
	_ =	swait.ge @!p0 [sflag:s8], $0x0  }
0x24: {  	s3 =	sadd.s32 $0x88, s3;
	s6 =	simm.s32 @!p1 $0x1082;
	[sflag:s4] =	ssyncset.s32 $0xFFFFF086  }
0x25: {  	[simem:s6], [sflag:s4] =	dma.local [hbm:s3], $0xF7A  }
0x26: {  	[smem:$0x3F9E] =	sst s1;
	(tag) =	ssettag s2;
	_ =	strace s9  }
0x27: {  	s1 =	sld [smem:$0x3FAE]  }
0x28: {  	s2 =	sld [smem:$0x3FAF]  }
0x29: {  	s4 =	sld [smem:$0x3FB1]  }
0x2a: {  	p0 =	seq.s32 s5, $0x0;
	s5 =	sld [smem:$0x3FB2]  }
0x2b: {  	s6 =	sld [smem:$0x3FB3]  }
0x2c: {  	s7 =	sld [smem:$0x3FB4]  }
0x2d: {  	s3 =	simm.s32 $0x108;
	s8 =	sld [smem:$0x3FB5]  }
0x2e: {  	s3 =	simm.s32 @!p0 $0x1082;
	s9 =	sld [smem:$0x3FB6]  }
0x2f: {  	lr =	sadd.s32 s0, s3;
	s0 =	sld [smem:$0x3FAD]  }
0x30: {  	s3 =	sld [smem:$0x3FB0]  }
0x31: {  	[smem:$0x3FB9] =	sst s10  }
0x32: {  	s10 =	sld [smem:$0x3FB7];
	_ =	sdelay $0x3  }
0x33: {  	p0 =	seq.s32 s10, $0x1;
	s10 =	sld [smem:$0x3FB9];
	_ =	sdelay $0x3  }
0x34: {  	[smem:$0x3FB9] =	sst s10  }
0x35: {  	s10 =	sld [smem:$0x3FB8];
	_ =	sdelay $0x3  }
0x36: {  	p1 =	seq.s32 s10, $0x1;
	s10 =	sld [smem:$0x3FB9];
	_ =	sdelay $0x3  }
0x37: {  	[smem:$0x3FB9] =	sst s10  }
0x38: {  	s10 =	sld [smem:$0x3FBA]  }
0x39: {  	_ = 	snop;
	(pc) =	sbr.ind lr, $3  }
0x3a: {  	_ = 	snop  }
0x3b: {  	_ = 	snop  }
0x3c: {  	p2 =	seq.s32 s10, $0x1;
	s10 =	sld [smem:$0x3FB9]  }
0x3d: {  	_ =	shalt  }
0x3e: {  	_ =	shalt  }
0x3f: {  	_ =	shalt  }
0x40: {  	_ =	shalt  }
0x41: {  	_ =	shalt  }
0x42: {  	_ =	shalt  }
0x43: {  	_ =	shalt  }
0x44: {  	_ =	shalt  }
0x45: {  	_ =	shalt  }
0x46: {  	_ =	shalt  }
0x47: {  	_ =	shalt  }
0x48: {  	_ =	shalt  }
0x49: {  	_ =	shalt  }
0x4a: {  	_ =	shalt  }
0x4b: {  	_ =	shalt  }
0x4c: {  	_ =	shalt  }
0x4d: {  	_ =	shalt  }
0x4e: {  	_ =	shalt  }
0x4f: {  	_ =	shalt  }
0x50: {  	_ =	shalt  }
0x51: {  	_ =	shalt  }
0x52: {  	_ =	shalt  }
0x53: {  	_ =	shalt  }
0x54: {  	_ =	shalt  }
0x55: {  	_ =	shalt  }
0x56: {  	_ =	shalt  }
0x57: {  	_ =	shalt  }
0x58: {  	_ =	shalt  }
0x59: {  	_ =	shalt  }
0x5a: {  	_ =	shalt  }
0x5b: {  	_ =	shalt  }
0x5c: {  	_ =	shalt  }
0x5d: {  	_ =	shalt  }
0x5e: {  	_ =	shalt  }
0x5f: {  	_ =	shalt  }
0x60: {  	_ =	shalt  }
0x61: {  	_ =	shalt  }
0x62: {  	_ =	shalt  }
0x63: {  	_ =	shalt  }
0x64: {  	_ =	shalt  }
0x65: {  	_ =	shalt  }
0x66: {  	_ =	shalt  }
0x67: {  	_ =	shalt  }
0x68: {  	_ =	shalt  }
0x69: {  	_ =	shalt  }
0x6a: {  	_ =	shalt  }
0x6b: {  	_ =	shalt  }
0x6c: {  	_ =	shalt  }
0x6d: {  	_ =	shalt  }
0x6e: {  	_ =	shalt  }
0x6f: {  	_ =	shalt  }
0x70: {  	_ =	shalt  }
0x71: {  	_ =	shalt  }
0x72: {  	_ =	shalt  }
0x73: {  	_ =	shalt  }
0x74: {  	_ =	shalt  }
0x75: {  	_ =	shalt  }
0x76: {  	_ =	shalt  }
0x77: {  	_ =	shalt  }
0x78: {  	_ =	shalt  }
0x79: {  	_ =	shalt  }
0x7a: {  	_ =	shalt  }
0x7b: {  	_ =	shalt  }
0x7c: {  	_ =	shalt  }
0x7d: {  	_ =	shalt  }
0x7e: {  	_ =	shalt  }
0x7f: {  	_ =	shalt  }
0x80: {  	_ =	shalt  }
0x81: {  	_ =	shalt  }
0x82: {  	_ =	shalt  }
0x83: {  	_ =	shalt  }
0x84: {  	_ =	shalt  }
0x85: {  	_ =	shalt  }
0x86: {  	_ =	shalt  }
0x87: {  	_ =	shalt  }
.Lfunc_end0:
.L_simem_size_0:
called_computation_lowered:
.L_overlay_start_0:
0x88: {  	s2 =	sld [smem:$0x3FD9]  }
0x89: {  	s3 =	sld [smem:$0x3FFE];
	_ =	sdelay $0x1  }
0x8a: {  	s1 =	srdreg.scid  }
0x8b: {  	s0 =	sand.u32 $0x1, s1  }
0x8c: {  	s17 =	sshll.u32 s0, $0xA;
	s2 =	sadd.s32 s3, s2  }
0x8d: {  	s2 =	sadd.s32 s2, s17  }
0x8e: {  	[smem:$0x3FC5] =	sst s2  }
0x8f: {  	_ = 	snop  }
0x90: {  	s2 =	sld [smem:$0x3FC7]  }
0x91: {  	s18 =	sld [smem:$0x3FD0];
	(tm) =	ssettm $0x1  }
0x92: {  	s4 =	sld [smem:$0x3FFB];
	_ =	sdelay $0x3  }
0x93: {  	_ =	strace s4  }
0x94: {  	s4 =	sld [smem:$0x3FFC];
	_ =	sdelay $0x3  }
0x95: {  	_ =	strace s4  }
0x96: {  	s4 =	sld [smem:$0x3FFD];
	_ =	sdelay $0x3  }
0x97: {  	_ =	strace s4  }
0x98: {  	_ =	strace $0x8FFFFFFF  }
0x99: {  	s19 =	sld [smem:$0x3FDB];
	_ =	sdelay $0x1  }
0x9a: {  	s5 =	simm.s32 $_scs_section_size  }
0x9b: {  	s6 =	simm.s32 $_size__tile_overlayer_lowered;
	s7 =	simm.s32 $_tile_overlayer_lowered  }
0x9c: {  	s22 =	simm.s32 $0x1BFF;
	s21 =	sshll.u32 s7, $0x1;
	s4 =	sadd.s32 s5, s19  }
0x9d: {  	s8 =	simm.s32 $0x0;
	s20 =	sshll.u32 s6, $0x1;
	s6 =	sadd.s32 s21, s4  }
0x9e: {  	[timem:s8], [sflag:s22] =	dma.local [hbm:s6], s20  }
0x9f: {  	_ =	swait.ge [sflag:s22], s20  }
0xa0: {  	s5 =	ssub.s32 $0x0, s20;
	[sflag:s22] =	ssyncset.done $0x0  }
0xa1: {  	[sflag:s22] =	ssyncadd.s32 s5;
	_ =	sdelay $0x1  }
0xa2: {  	s23 =	simm.s32 $0x1B8B  }
0xa3: {  	_ =	swait.ge [sflag:s23], $0x1  }
0xa4: {  	[sflag:s23] =	ssyncset.done $0x0  }
0xa5: {  	s25 =	simm.s32 $0x1B8E;
	s24 =	sld [smem:$0x3FFE];
	[sflag:s23] =	ssyncadd.s32 $0xFFFFFFFF  }
0xa6: {  	s26 =	simm.s32 $execute0_lowered;
	[smem:$0x3FD2] =	sst s25  }
0xa7: {  	s6 =	sshll.u32 s26, $0x1;
	_ =	strace $0x80000046;
	[dreg:$0x1] =	wrdreg $0xFFFFFFFF  }
0xa8: {  	s28 =	simm.s32 $_size_execute0_lowered;
	s4 =	sadd.s32 s4, s6;
	[dreg:$0x0] =	wrdreg $0x0  }
0xa9: {  	s6 =	sshll.u32 s28, $0x1;
	[dreg:$0x2] =	wrdreg s4  }
0xaa: {  	[dreg:$0x3] =	wrdreg s6  }
0xab: {  	[dreg:$0x4] =	wrdreg $0xC0  }
0xac: {  	_ =	task [dreg:s8], $0x5FFFF  }
0xad: {  	[dreg:$0x1] =	wrdreg $0xFFFFFFFF  }
0xae: {  	[dreg:$0x0] =	wrdreg $0x60  }
0xaf: {  	[dreg:$0x2] =	wrdreg s18  }
0xb0: {  	[dreg:$0x3] =	wrdreg s2  }
0xb1: {  	[dreg:$0x4] =	wrdreg s24  }
0xb2: {  	[dreg:$0x5] =	wrdreg $0x9  }
0xb3: {  	_ =	task.clear_ibuf [dreg:s8], $0x6FFFF;
	_ =	strace $0x90000046  }
0xb4: {  	s29 =	simm.s32 $0x9;
	_ =	strace $0x80000048  }
0xb5: {  	_ =	swait.ge [sflag:s29], $0x1  }
0xb6: {  	[sflag:s29] =	ssyncadd.s32 $0xFFFFFFFF  }
0xb7: {  	_ =	strace $0x90000048  }
0xb8: {  	_ =	sfence  }
0xb9: {  	s30 =	sld [smem:$0x0];
	_ =	sdelay $0x2  }
0xba: {  	s31 =	sshll.u32 s1, $0xD;
	s1 =	sshrl.u32 s1, $0x2  }
0xbb: {  	s3 =	sand.u32 $0x4000, s31;
	s1 =	sadd.s32 s1, s30  }
0xbc: {  	s0 =	sor.u32 s3, s0;
	s1 =	sshll.u32 s1, $0x11  }
0xbd: {  	s0 =	sor.u32 s1, s0  }
0xbe: {  	s0 =	sadd.s32 $0x8F2B, s0  }
0xbf: {  	[sflag:s0] =	ssyncadd.remote.s32 $0x1  }
0xc0: {  	_ =	sfence.sel $0xFFFF  }
0xc1: {  	[dreg:$0x0] =	wrdreg $0xFFFFFFFF;
	(pc) =	sbr.abs _section_cstart, $3  }
0xc2: {  	[dreg:$0x1] =	wrdreg $0xFFFFFFFF  }
0xc3: {  	_ =	task.clear_ibuf [dreg:s8], $0x2FFFF;
	_ =	strace $0x9FFFFFFF  }
0xc4: {  	(tm) =	ssettm $0x7FFFFFFF  }
0xc5: {  	_ =	shalt  }
tec
execute0_lowered:
.L_overlay_start_1:
0x0: {  	(tag) =	ssettag $0x1  }
0x1: {  	s4 =	rddreg [dreg:$0x0]  }
0x2: {  	s2 =	rddreg [dreg:$0x1]  }
0x3: {  	s8 =	rddreg [dreg:$0x2];
	s3 =	srdreg.scid  }
0x4: {  	s0 =	rddreg [dreg:$0x3];
	s1 =	stileid.u32;
	s6 =	sand.u32 $0x1, s3  }
0x5: {  	s3 =	simm.s32 $0x0;
	s5 =	sshll.u32 s1, $0xB;
	s7 =	sshll.u32 s6, $0xA  }
0x6: {  	[smem:$0x7FF] =	sst s3;
	s10 =	ssub.s32 $0x2, s6;
	s9 =	sor.u32 s7, s5  }
0x7: {  	_ =	strace $0x80000047;
	s5 =	sadd.s32 s4, s9;
	s4 =	simm.s32 $0x2  }
0x8: {  	[tilespmem:s3], [sflag:$0x2] =	stream.linear.gather [hbm4b:s5+s3], $0x2000, $0x38;
	[tilespmem:$0x4000] =	vst v63  }
0x9: {  	s6 =	simm.s32 $0x2000;
	s11 =	sshrl.u32 s10, $0x1;
	_ =	swait.ge [sflag:s4], $0x2000  }
0xa: {  	s7 =	simm.s32 $0x1;
	s31 =	ssub.s32 s10, s11;
	[sflag:s4] =	ssyncset.done $0x0  }
0xb: {  	s8 =	sadd.s32 s9, s8;
	s9 =	smax.u32 s31, $0x1;
	[sflag:s4] =	ssyncadd.s32 $0xFFFFE000  }
0xc: {  	[tilespmem:s6], [sflag:$0x1] =	stream.indirect.gather [hbm4b:s2+s6], $0x1, s3, s6, $0xb8;
	[tilespmem:$0x4000] =	vst v63  }
0xd: {  	p0 =	sne.s32 s9, $0x1;
	_ =	swait.ge [sflag:s7], $0x2000  }
.Ltmp0:
0xe: {  	[sflag:s7] =	ssyncset.done $0x0;
	(pc) =	sbr.rel @!p0 .LBB2_2-.Ltmp0, $4  }
0xf: {  	s8 =	sadd.s32 $0x800, s8;
	[sflag:s7] =	ssyncadd.s32 $0xFFFFE000  }
0x10: {  	[hbm4b:s8+s3] =	stream.linear.scatter [tilespmem:s6], [sflag:$0x2], $0x2000, $0x38;
	[tilespmem:$0x4000] =	vst v63  }
0x11: {  	_ =	swait.ge [sflag:s4], $0x2000  }
0x12: {  	s9 =	sadd.s32 $0xFFFFFFFF, s9;
	[sflag:s4] =	ssyncset.done $0x0  }
.LBB2_1:
0x13: {  	p0 =	sne.s32 s9, $0x1;
	s9 =	sadd.s32 $0xFFFFFFFF, s9;
	[sflag:s4] =	ssyncadd.s32 $0xFFFFE000  }
0x14: {  	[tilespmem:s3], [sflag:$0x2] =	stream.linear.gather [hbm4b:s5+s3], $0x2000, $0x38;
	[tilespmem:$0x4000] =	vst v63  }
0x15: {  	_ =	swait.ge [sflag:s4], $0x2000  }
0x16: {  	[sflag:s4] =	ssyncset.done $0x0  }
0x17: {  	[sflag:s4] =	ssyncadd.s32 $0xFFFFE000  }
0x18: {  	[tilespmem:s6], [sflag:$0x1] =	stream.indirect.gather [hbm4b:s2+s6], $0x1, s3, s6, $0xb8;
	[tilespmem:$0x4000] =	vst v63  }
0x19: {  	_ =	swait.ge [sflag:s7], $0x2000  }
.Ltmp1:
0x1a: {  	[sflag:s7] =	ssyncset.done $0x0;
	(pc) =	sbr.rel @p0 .LBB2_1-.Ltmp1, $4  }
0x1b: {  	[sflag:s7] =	ssyncadd.s32 $0xFFFFE000  }
0x1c: {  	[hbm4b:s8+s3] =	stream.linear.scatter [tilespmem:s6], [sflag:$0x2], $0x2000, $0x38;
	[tilespmem:$0x4000] =	vst v63  }
0x1d: {  	_ =	swait.ge [sflag:s4], $0x2000  }
0x1e: {  	[sflag:s4] =	ssyncset.done $0x0  }
.LBB2_2:
0x1f: {  	[sflag:s4] =	ssyncadd.s32 $0xFFFFE000  }
0x20: {  	_ =	sfence.sel $0x180000  }
0x21: {  	[bflag:$0x0] =	sbarrier.arrive $0xFFFF  }
0x22: {  	p0 =	sne.s32 s1, $0x0;
	_ =	strace $0x90000047  }
0x23: {  	s0 =	sadd.s32 @!p0 $0x100000, s0;
	[bflag:$0x2] =	sbarrier.arrive $0xFFFF  }
0x24: {  	[sflag:s0] =	ssyncadd.tile.s32 @!p0 $0x1;
	_ =	shalt  }
.Lfunc_end2:
_tile_overlayer_lowered:
.L_overlay_start_2:
0x25: {  	(tag) =	ssettag $0x2  }
0x26: {  	s0 =	rddreg [dreg:$0x0];
	s2 =	stileid.u32  }
0x27: {  	s1 =	rddreg [dreg:$0x1];
	p0 =	sne.s32 s2, $0x0  }
0x28: {  	s3 =	rddreg [dreg:$0x2];
	[bflag:$0x3] =	sbarrier.arrive $0xFFFF;
	s2 =	simm.s32 @!p0 $0x1C02  }
0x29: {  	[timem:s3], [sflag:s2] =	dma.local @!p0 [hbm:s0], s1  }
0x2a: {  	s0 =	simm.s32 @!p0 $0x2  }
0x2b: {  	_ =	swait.ge @!p0 [sflag:s0], s1  }
0x2c: {  	s1 =	ssub.s32 @!p0 $0x0, s1;
	[sflag:s0] =	ssyncset.done @!p0 $0x0  }
0x2d: {  	[sflag:s0] =	ssyncadd.s32 @!p0 s1  }
0x2e: {  	[bflag:$0x3] =	sbarrier.arrive $0xFFFF  }
0x2f: {  	_ =	shalt  }

</sc_bundles>
